<compile_context>
chip_gen: v7x
topology: tpu7x:2x2x1
jax: 0.10.2.dev20260603
libtpu: 0.0.44.dev20260713+nightly
codegen_flags: <defaults>
</compile_context>

<pallas_src>
import functools

import jax
import jax.numpy as jnp
from jax import lax
from jax.experimental import pallas as pl
from jax.experimental.pallas import tpu as pltpu
from jax.experimental.pallas import tpu_sc as plsc

_EMBED = 32
_NTOK = 8192
_TBLK = 512
_NT = _NTOK // _TBLK
_CB0, _CB1 = 10000, 100
_CB0P, _CB1P = 10240, 128
_CHUNK0 = 2048

_BIG_I32 = 2**30


def _scan_codebook(cbT_ref, wn_ref, emb, en, n_rows, chunk, out_ref):
    best_d = jnp.full((_TBLK, 1), jnp.inf, dtype=jnp.float32)
    best_i = jnp.zeros((_TBLK, 1), dtype=jnp.int32)
    for c in range(n_rows // chunk):
        cbT = cbT_ref[:, pl.ds(c * chunk, chunk)]
        wn = wn_ref[:, pl.ds(c * chunk, chunk)]
        mm = jnp.dot(emb, cbT, preferred_element_type=jnp.float32)
        dist = (en + wn) - 2.0 * mm
        cmin = jnp.min(dist, axis=1, keepdims=True)
        iota = lax.broadcasted_iota(jnp.int32, (_TBLK, chunk), 1)
        cidx = jnp.min(jnp.where(dist == cmin, iota, _BIG_I32),
                       axis=1, keepdims=True)
        upd = cmin < best_d
        best_i = jnp.where(upd, cidx + c * chunk, best_i)
        best_d = jnp.where(upd, cmin, best_d)
    out_ref[...] = best_i


def _argmin_body(emb_ref, en_ref, cb0T_ref, wn0_ref, cb1T_ref, wn1_ref,
                 idx0_ref, idx1_ref):
    emb = emb_ref[...]
    en = en_ref[...]
    _scan_codebook(cb0T_ref, wn0_ref, emb, en, _CB0P, _CHUNK0, idx0_ref)
    _scan_codebook(cb1T_ref, wn1_ref, emb, en, _CB1P, _CB1P, idx1_ref)


def _argmin_indices(embeds, en2, cb0T, wn0, cb1T, wn1):
    return pl.pallas_call(
        _argmin_body,
        grid=(_NT,),
        in_specs=[
            pl.BlockSpec((_TBLK, _EMBED), lambda i: (i, 0)),
            pl.BlockSpec((_TBLK, 1), lambda i: (i, 0)),
            pl.BlockSpec((_EMBED, _CB0P), lambda i: (0, 0)),
            pl.BlockSpec((1, _CB0P), lambda i: (0, 0)),
            pl.BlockSpec((_EMBED, _CB1P), lambda i: (0, 0)),
            pl.BlockSpec((1, _CB1P), lambda i: (0, 0)),
        ],
        out_specs=[
            pl.BlockSpec((_TBLK, 1), lambda i: (i, 0)),
            pl.BlockSpec((_TBLK, 1), lambda i: (i, 0)),
        ],
        out_shape=[
            jax.ShapeDtypeStruct((_NTOK, 1), jnp.int32),
            jax.ShapeDtypeStruct((_NTOK, 1), jnp.int32),
        ],
    )(embeds, en2, cb0T, wn0, cb1T, wn1)


_GCH = 128


def _gather_rows(cb0, cb1, idx0, idx1):
    info = plsc.get_sparse_core_info()
    nc, ns = info.num_cores, info.num_subcores
    nwork = nc * ns
    rows_w = _NTOK // nwork
    mesh = plsc.VectorSubcoreMesh(core_axis_name="c", subcore_axis_name="s")

    @functools.partial(
        pl.kernel,
        mesh=mesh,
        out_type=[jax.ShapeDtypeStruct((_NTOK, _EMBED), jnp.float32),
                  jax.ShapeDtypeStruct((_NTOK, _EMBED), jnp.float32)],
        scratch_types=[
            pltpu.VMEM((_GCH,), jnp.int32),
            pltpu.VMEM((_GCH, _EMBED), jnp.float32),
            pltpu.SemaphoreType.DMA,
        ],
        compiler_params=pltpu.CompilerParams(use_tc_tiling_on_sc=False),
    )
    def k(cb0_hbm, cb1_hbm, idx0_hbm, idx1_hbm, out0_hbm, out1_hbm,
          idx_v, rows_v, sem):
        wid = lax.axis_index("s") * nc + lax.axis_index("c")
        base = wid * rows_w
        for tbl, idx_hbm, out_hbm in ((cb0_hbm, idx0_hbm, out0_hbm),
                                      (cb1_hbm, idx1_hbm, out1_hbm)):
            for p in range(rows_w // _GCH):
                b = base + p * _GCH
                pltpu.sync_copy(idx_hbm.at[pl.ds(b, _GCH)], idx_v)
                pltpu.async_copy(tbl.at[idx_v], rows_v, sem).wait()
                pltpu.sync_copy(rows_v, out_hbm.at[pl.ds(b, _GCH)])

    return k(cb0, cb1, idx0, idx1)


def kernel(embeds, cb0, cb1):
    en2 = jnp.sum(embeds ** 2, axis=1).reshape(_NTOK, 1)
    wn0 = jnp.sum(cb0 ** 2, axis=1)
    wn1 = jnp.sum(cb1 ** 2, axis=1)
    inf = jnp.float32(jnp.inf)
    wn0p = jnp.concatenate(
        [wn0, jnp.full((_CB0P - _CB0,), inf, jnp.float32)]).reshape(1, _CB0P)
    wn1p = jnp.concatenate(
        [wn1, jnp.full((_CB1P - _CB1,), inf, jnp.float32)]).reshape(1, _CB1P)
    cb0T = jnp.pad(cb0, ((0, _CB0P - _CB0), (0, 0))).T
    cb1T = jnp.pad(cb1, ((0, _CB1P - _CB1), (0, 0))).T
    idx0_2d, idx1_2d = _argmin_indices(embeds, en2, cb0T, wn0p, cb1T, wn1p)
    q0, q1 = _gather_rows(cb0, cb1, idx0_2d.reshape(-1), idx1_2d.reshape(-1))
    return jnp.stack([q0, q1], axis=0)

# --- scband reference (transcript-rebuilt; emitter-appended) ---
"""Pipeline reference for scband-cascade-codebook-cluster-90460601188596 (READ-ONLY COPY).

The authoritative reference and input builder live on the scoring server;
editing this copy changes nothing except your own understanding.
"""

import jax, jax.numpy as jnp
import numpy as np

EMBED_DIM = 32
CLUSTER_SIZES = (10000, 100)
N_TOKENS = 8192


def setup_inputs(seed: int = 0) -> dict:
    key = jax.random.key(seed)
    k1, k2, k3 = jax.random.split(key, 3)
    embeds = jax.random.normal(k1, (N_TOKENS, EMBED_DIM), dtype=jnp.float32)
    cb0 = jax.random.normal(k2, (CLUSTER_SIZES[0], EMBED_DIM), dtype=jnp.float32)
    cb1 = jax.random.normal(k3, (CLUSTER_SIZES[1], EMBED_DIM), dtype=jnp.float32)
    return {"embeds": embeds, "cb0": cb0, "cb1": cb1}


def reference(embeds, cb0, cb1):
    # CascadeCodebookCluster.quantize(embeds, with_loss=False, transformed=False)
    # TransformLayer.forward is an identity in the source (returns hidden_states unchanged),
    # so transform(embeds) == embeds.
    shape = embeds.shape
    flat = embeds.reshape(-1, EMBED_DIM)
    qembeds = []
    for cb in (cb0, cb1):
        # distances = ||e||^2 + ||w||^2 - 2 e w^T
        distances = (
            jnp.sum(flat ** 2, axis=1, keepdims=True)
            + jnp.sum(cb ** 2, axis=1)
            - 2.0 * (flat @ cb.T)
        )
        indices = jnp.argmin(distances, axis=-1)
        # one-hot scatter_ + matmul with codebook weights == row gather from codebook
        inner = jnp.take(cb, indices, axis=0)
        qembeds.append(inner.reshape(shape))
        # layer_connect=False -> embeds stays the original for every layer
    return jnp.stack(qembeds, axis=0)

if __name__ == "__main__":
    import jax
    _d = setup_inputs()
    print(jax.jit(kernel)(*tuple(_d.values())))

</pallas_src>

<mosaic_0001>
#map = affine_map<(d0, d1) -> (0, 0)>
#map1 = affine_map<(d0, d1) -> (0)>
module attributes {stable_mosaic.version = 14 : i64} {
  func.func @k(%arg0: i32, %arg1: i32, %arg2: memref<10000x32xf32, #tpu.memory_space<hbm>>, %arg3: memref<100x32xf32, #tpu.memory_space<hbm>>, %arg4: memref<8192xi32, #tpu.memory_space<hbm>>, %arg5: memref<8192xi32, #tpu.memory_space<hbm>>, %arg6: memref<8192x32xf32, #tpu.memory_space<hbm>>, %arg7: memref<8192x32xf32, #tpu.memory_space<hbm>>, %arg8: memref<128xi32, #tpu.memory_space<vmem>>, %arg9: memref<128x32xf32, #tpu.memory_space<vmem>>, %arg10: memref<!tpu.dma_semaphore, #tpu.memory_space<semaphore_mem>>) attributes {dimension_semantics = [#tpu.dimension_semantics<core_parallel>, #tpu.dimension_semantics<subcore_parallel>], iteration_bounds = array<i64: 2, 16>, scalar_prefetch = 0 : i64, scratch_operands = 3 : i64, tpu.core_type = #tpu.core_type<sc_vector_subcore>, window_params = [{transform_indices = #map}, {transform_indices = #map}, {transform_indices = #map1}, {transform_indices = #map1}, {transform_indices = #map}, {transform_indices = #map}]} {
    %mul3A = arith.constant 2 : i32
    %mul3A_0 = arith.muli %arg1, %mul3A : i32
    %add3A = arith.addi %mul3A_0, %arg0 : i32
    %mul3A_1 = arith.constant 256 : i32
    %mul3A_2 = arith.muli %add3A, %mul3A_1 : i32
    %add3A_3 = arith.constant 0 : i32
    %add3A_4 = arith.addi %mul3A_2, %add3A_3 : i32
    "tpu.region"() ({
      %run_scoped3A = tpu.sem_alloc : memref<!tpu.dma_semaphore, #tpu.memory_space<semaphore_mem>>
      %dma_start3A_33 = tpu.memref_slice %arg4[%add3A_4] : memref<8192xi32, #tpu.memory_space<hbm>> -> memref<128xi32, #tpu.memory_space<hbm>>
      %dma_start3A_34 = tpu.memref_slice %arg4[%add3A_4] : memref<8192xi32, #tpu.memory_space<hbm>> -> memref<128xi32, #tpu.memory_space<hbm>>
      tpu.enqueue_dma source(%dma_start3A_34 : memref<128xi32, #tpu.memory_space<hbm>>) target(%arg8 : memref<128xi32, #tpu.memory_space<vmem>>) target_semaphore(%run_scoped3A : memref<!tpu.dma_semaphore, #tpu.memory_space<semaphore_mem>>)
      %dma_wait3A_35 = tpu.memref_slice %arg4[%add3A_4] : memref<8192xi32, #tpu.memory_space<hbm>> -> memref<128xi32, #tpu.memory_space<hbm>>
      %dma_wait3A_36 = tpu.memref_slice %arg4[%add3A_4] : memref<8192xi32, #tpu.memory_space<hbm>> -> memref<128xi32, #tpu.memory_space<hbm>>
      tpu.wait_dma2 semaphore(%run_scoped3A : memref<!tpu.dma_semaphore, #tpu.memory_space<semaphore_mem>>) src(%dma_wait3A_36 : memref<128xi32, #tpu.memory_space<hbm>>) dst(%arg8 : memref<128xi32, #tpu.memory_space<vmem>>)
      tpu.yield
    }) : () -> ()
    %dma_start3A = arith.constant 0 : i32
    %dma_start3A_5 = arith.constant 0 : i32
    %dma_start3A_6 = tpu.memref_slice %arg2[%dma_start3A, %dma_start3A_5] : memref<10000x32xf32, #tpu.memory_space<hbm>> -> memref<10000x32xf32, #tpu.memory_space<hbm>>
    tpu.enqueue_indirect_dma source(%dma_start3A_6 : memref<10000x32xf32, #tpu.memory_space<hbm>>) target(%arg9 : memref<128x32xf32, #tpu.memory_space<vmem>>) offsets(%arg8 : memref<128xi32, #tpu.memory_space<vmem>>) semaphore(%arg10 : memref<!tpu.dma_semaphore, #tpu.memory_space<semaphore_mem>>)
    %dma_wait3A = arith.constant 0 : i32
    %dma_wait3A_7 = arith.constant 0 : i32
    %dma_wait3A_8 = tpu.memref_slice %arg2[%dma_wait3A, %dma_wait3A_7] : memref<10000x32xf32, #tpu.memory_space<hbm>> -> memref<10000x32xf32, #tpu.memory_space<hbm>>
    tpu.wait_indirect_dma semaphore(%arg10 : memref<!tpu.dma_semaphore, #tpu.memory_space<semaphore_mem>>) src(%dma_wait3A_8 : memref<10000x32xf32, #tpu.memory_space<hbm>>) dst(%arg9 : memref<128x32xf32, #tpu.memory_space<vmem>>)
    "tpu.region"() ({
      %run_scoped3A = tpu.sem_alloc : memref<!tpu.dma_semaphore, #tpu.memory_space<semaphore_mem>>
      %dma_start3A_33 = arith.constant 0 : i32
      %dma_start3A_34 = tpu.memref_slice %arg6[%add3A_4, %dma_start3A_33] : memref<8192x32xf32, #tpu.memory_space<hbm>> -> memref<128x32xf32, #tpu.memory_space<hbm>>
      %dma_start3A_35 = arith.constant 0 : i32
      %dma_start3A_36 = tpu.memref_slice %arg6[%add3A_4, %dma_start3A_35] : memref<8192x32xf32, #tpu.memory_space<hbm>> -> memref<128x32xf32, #tpu.memory_space<hbm>>
      tpu.enqueue_dma source(%arg9 : memref<128x32xf32, #tpu.memory_space<vmem>>) target(%dma_start3A_36 : memref<128x32xf32, #tpu.memory_space<hbm>>) target_semaphore(%run_scoped3A : memref<!tpu.dma_semaphore, #tpu.memory_space<semaphore_mem>>)
      %dma_wait3A_37 = arith.constant 0 : i32
      %dma_wait3A_38 = tpu.memref_slice %arg6[%add3A_4, %dma_wait3A_37] : memref<8192x32xf32, #tpu.memory_space<hbm>> -> memref<128x32xf32, #tpu.memory_space<hbm>>
      %dma_wait3A_39 = arith.constant 0 : i32
      %dma_wait3A_40 = tpu.memref_slice %arg6[%add3A_4, %dma_wait3A_39] : memref<8192x32xf32, #tpu.memory_space<hbm>> -> memref<128x32xf32, #tpu.memory_space<hbm>>
      tpu.wait_dma2 semaphore(%run_scoped3A : memref<!tpu.dma_semaphore, #tpu.memory_space<semaphore_mem>>) src(%arg9 : memref<128x32xf32, #tpu.memory_space<vmem>>) dst(%dma_wait3A_40 : memref<128x32xf32, #tpu.memory_space<hbm>>)
      tpu.yield
    }) : () -> ()
    %add3A_9 = arith.constant 128 : i32
    %add3A_10 = arith.addi %mul3A_2, %add3A_9 : i32
    "tpu.region"() ({
      %run_scoped3A = tpu.sem_alloc : memref<!tpu.dma_semaphore, #tpu.memory_space<semaphore_mem>>
      %dma_start3A_33 = tpu.memref_slice %arg4[%add3A_10] : memref<8192xi32, #tpu.memory_space<hbm>> -> memref<128xi32, #tpu.memory_space<hbm>>
      %dma_start3A_34 = tpu.memref_slice %arg4[%add3A_10] : memref<8192xi32, #tpu.memory_space<hbm>> -> memref<128xi32, #tpu.memory_space<hbm>>
      tpu.enqueue_dma source(%dma_start3A_34 : memref<128xi32, #tpu.memory_space<hbm>>) target(%arg8 : memref<128xi32, #tpu.memory_space<vmem>>) target_semaphore(%run_scoped3A : memref<!tpu.dma_semaphore, #tpu.memory_space<semaphore_mem>>)
      %dma_wait3A_35 = tpu.memref_slice %arg4[%add3A_10] : memref<8192xi32, #tpu.memory_space<hbm>> -> memref<128xi32, #tpu.memory_space<hbm>>
      %dma_wait3A_36 = tpu.memref_slice %arg4[%add3A_10] : memref<8192xi32, #tpu.memory_space<hbm>> -> memref<128xi32, #tpu.memory_space<hbm>>
      tpu.wait_dma2 semaphore(%run_scoped3A : memref<!tpu.dma_semaphore, #tpu.memory_space<semaphore_mem>>) src(%dma_wait3A_36 : memref<128xi32, #tpu.memory_space<hbm>>) dst(%arg8 : memref<128xi32, #tpu.memory_space<vmem>>)
      tpu.yield
    }) : () -> ()
    %dma_start3A_11 = arith.constant 0 : i32
    %dma_start3A_12 = arith.constant 0 : i32
    %dma_start3A_13 = tpu.memref_slice %arg2[%dma_start3A_11, %dma_start3A_12] : memref<10000x32xf32, #tpu.memory_space<hbm>> -> memref<10000x32xf32, #tpu.memory_space<hbm>>
    tpu.enqueue_indirect_dma source(%dma_start3A_13 : memref<10000x32xf32, #tpu.memory_space<hbm>>) target(%arg9 : memref<128x32xf32, #tpu.memory_space<vmem>>) offsets(%arg8 : memref<128xi32, #tpu.memory_space<vmem>>) semaphore(%arg10 : memref<!tpu.dma_semaphore, #tpu.memory_space<semaphore_mem>>)
    %dma_wait3A_14 = arith.constant 0 : i32
    %dma_wait3A_15 = arith.constant 0 : i32
    %dma_wait3A_16 = tpu.memref_slice %arg2[%dma_wait3A_14, %dma_wait3A_15] : memref<10000x32xf32, #tpu.memory_space<hbm>> -> memref<10000x32xf32, #tpu.memory_space<hbm>>
    tpu.wait_indirect_dma semaphore(%arg10 : memref<!tpu.dma_semaphore, #tpu.memory_space<semaphore_mem>>) src(%dma_wait3A_16 : memref<10000x32xf32, #tpu.memory_space<hbm>>) dst(%arg9 : memref<128x32xf32, #tpu.memory_space<vmem>>)
    "tpu.region"() ({
      %run_scoped3A = tpu.sem_alloc : memref<!tpu.dma_semaphore, #tpu.memory_space<semaphore_mem>>
      %dma_start3A_33 = arith.constant 0 : i32
      %dma_start3A_34 = tpu.memref_slice %arg6[%add3A_10, %dma_start3A_33] : memref<8192x32xf32, #tpu.memory_space<hbm>> -> memref<128x32xf32, #tpu.memory_space<hbm>>
      %dma_start3A_35 = arith.constant 0 : i32
      %dma_start3A_36 = tpu.memref_slice %arg6[%add3A_10, %dma_start3A_35] : memref<8192x32xf32, #tpu.memory_space<hbm>> -> memref<128x32xf32, #tpu.memory_space<hbm>>
      tpu.enqueue_dma source(%arg9 : memref<128x32xf32, #tpu.memory_space<vmem>>) target(%dma_start3A_36 : memref<128x32xf32, #tpu.memory_space<hbm>>) target_semaphore(%run_scoped3A : memref<!tpu.dma_semaphore, #tpu.memory_space<semaphore_mem>>)
      %dma_wait3A_37 = arith.constant 0 : i32
      %dma_wait3A_38 = tpu.memref_slice %arg6[%add3A_10, %dma_wait3A_37] : memref<8192x32xf32, #tpu.memory_space<hbm>> -> memref<128x32xf32, #tpu.memory_space<hbm>>
      %dma_wait3A_39 = arith.constant 0 : i32
      %dma_wait3A_40 = tpu.memref_slice %arg6[%add3A_10, %dma_wait3A_39] : memref<8192x32xf32, #tpu.memory_space<hbm>> -> memref<128x32xf32, #tpu.memory_space<hbm>>
      tpu.wait_dma2 semaphore(%run_scoped3A : memref<!tpu.dma_semaphore, #tpu.memory_space<semaphore_mem>>) src(%arg9 : memref<128x32xf32, #tpu.memory_space<vmem>>) dst(%dma_wait3A_40 : memref<128x32xf32, #tpu.memory_space<hbm>>)
      tpu.yield
    }) : () -> ()
    %add3A_17 = arith.constant 0 : i32
    %add3A_18 = arith.addi %mul3A_2, %add3A_17 : i32
    "tpu.region"() ({
      %run_scoped3A = tpu.sem_alloc : memref<!tpu.dma_semaphore, #tpu.memory_space<semaphore_mem>>
      %dma_start3A_33 = tpu.memref_slice %arg5[%add3A_18] : memref<8192xi32, #tpu.memory_space<hbm>> -> memref<128xi32, #tpu.memory_space<hbm>>
      %dma_start3A_34 = tpu.memref_slice %arg5[%add3A_18] : memref<8192xi32, #tpu.memory_space<hbm>> -> memref<128xi32, #tpu.memory_space<hbm>>
      tpu.enqueue_dma source(%dma_start3A_34 : memref<128xi32, #tpu.memory_space<hbm>>) target(%arg8 : memref<128xi32, #tpu.memory_space<vmem>>) target_semaphore(%run_scoped3A : memref<!tpu.dma_semaphore, #tpu.memory_space<semaphore_mem>>)
      %dma_wait3A_35 = tpu.memref_slice %arg5[%add3A_18] : memref<8192xi32, #tpu.memory_space<hbm>> -> memref<128xi32, #tpu.memory_space<hbm>>
      %dma_wait3A_36 = tpu.memref_slice %arg5[%add3A_18] : memref<8192xi32, #tpu.memory_space<hbm>> -> memref<128xi32, #tpu.memory_space<hbm>>
      tpu.wait_dma2 semaphore(%run_scoped3A : memref<!tpu.dma_semaphore, #tpu.memory_space<semaphore_mem>>) src(%dma_wait3A_36 : memref<128xi32, #tpu.memory_space<hbm>>) dst(%arg8 : memref<128xi32, #tpu.memory_space<vmem>>)
      tpu.yield
    }) : () -> ()
    %dma_start3A_19 = arith.constant 0 : i32
    %dma_start3A_20 = arith.constant 0 : i32
    %dma_start3A_21 = tpu.memref_slice %arg3[%dma_start3A_19, %dma_start3A_20] : memref<100x32xf32, #tpu.memory_space<hbm>> -> memref<100x32xf32, #tpu.memory_space<hbm>>
    tpu.enqueue_indirect_dma source(%dma_start3A_21 : memref<100x32xf32, #tpu.memory_space<hbm>>) target(%arg9 : memref<128x32xf32, #tpu.memory_space<vmem>>) offsets(%arg8 : memref<128xi32, #tpu.memory_space<vmem>>) semaphore(%arg10 : memref<!tpu.dma_semaphore, #tpu.memory_space<semaphore_mem>>)
    %dma_wait3A_22 = arith.constant 0 : i32
    %dma_wait3A_23 = arith.constant 0 : i32
    %dma_wait3A_24 = tpu.memref_slice %arg3[%dma_wait3A_22, %dma_wait3A_23] : memref<100x32xf32, #tpu.memory_space<hbm>> -> memref<100x32xf32, #tpu.memory_space<hbm>>
    tpu.wait_indirect_dma semaphore(%arg10 : memref<!tpu.dma_semaphore, #tpu.memory_space<semaphore_mem>>) src(%dma_wait3A_24 : memref<100x32xf32, #tpu.memory_space<hbm>>) dst(%arg9 : memref<128x32xf32, #tpu.memory_space<vmem>>)
    "tpu.region"() ({
      %run_scoped3A = tpu.sem_alloc : memref<!tpu.dma_semaphore, #tpu.memory_space<semaphore_mem>>
      %dma_start3A_33 = arith.constant 0 : i32
      %dma_start3A_34 = tpu.memref_slice %arg7[%add3A_18, %dma_start3A_33] : memref<8192x32xf32, #tpu.memory_space<hbm>> -> memref<128x32xf32, #tpu.memory_space<hbm>>
      %dma_start3A_35 = arith.constant 0 : i32
      %dma_start3A_36 = tpu.memref_slice %arg7[%add3A_18, %dma_start3A_35] : memref<8192x32xf32, #tpu.memory_space<hbm>> -> memref<128x32xf32, #tpu.memory_space<hbm>>
      tpu.enqueue_dma source(%arg9 : memref<128x32xf32, #tpu.memory_space<vmem>>) target(%dma_start3A_36 : memref<128x32xf32, #tpu.memory_space<hbm>>) target_semaphore(%run_scoped3A : memref<!tpu.dma_semaphore, #tpu.memory_space<semaphore_mem>>)
      %dma_wait3A_37 = arith.constant 0 : i32
      %dma_wait3A_38 = tpu.memref_slice %arg7[%add3A_18, %dma_wait3A_37] : memref<8192x32xf32, #tpu.memory_space<hbm>> -> memref<128x32xf32, #tpu.memory_space<hbm>>
      %dma_wait3A_39 = arith.constant 0 : i32
      %dma_wait3A_40 = tpu.memref_slice %arg7[%add3A_18, %dma_wait3A_39] : memref<8192x32xf32, #tpu.memory_space<hbm>> -> memref<128x32xf32, #tpu.memory_space<hbm>>
      tpu.wait_dma2 semaphore(%run_scoped3A : memref<!tpu.dma_semaphore, #tpu.memory_space<semaphore_mem>>) src(%arg9 : memref<128x32xf32, #tpu.memory_space<vmem>>) dst(%dma_wait3A_40 : memref<128x32xf32, #tpu.memory_space<hbm>>)
      tpu.yield
    }) : () -> ()
    %add3A_25 = arith.constant 128 : i32
    %add3A_26 = arith.addi %mul3A_2, %add3A_25 : i32
    "tpu.region"() ({
      %run_scoped3A = tpu.sem_alloc : memref<!tpu.dma_semaphore, #tpu.memory_space<semaphore_mem>>
      %dma_start3A_33 = tpu.memref_slice %arg5[%add3A_26] : memref<8192xi32, #tpu.memory_space<hbm>> -> memref<128xi32, #tpu.memory_space<hbm>>
      %dma_start3A_34 = tpu.memref_slice %arg5[%add3A_26] : memref<8192xi32, #tpu.memory_space<hbm>> -> memref<128xi32, #tpu.memory_space<hbm>>
      tpu.enqueue_dma source(%dma_start3A_34 : memref<128xi32, #tpu.memory_space<hbm>>) target(%arg8 : memref<128xi32, #tpu.memory_space<vmem>>) target_semaphore(%run_scoped3A : memref<!tpu.dma_semaphore, #tpu.memory_space<semaphore_mem>>)
      %dma_wait3A_35 = tpu.memref_slice %arg5[%add3A_26] : memref<8192xi32, #tpu.memory_space<hbm>> -> memref<128xi32, #tpu.memory_space<hbm>>
      %dma_wait3A_36 = tpu.memref_slice %arg5[%add3A_26] : memref<8192xi32, #tpu.memory_space<hbm>> -> memref<128xi32, #tpu.memory_space<hbm>>
      tpu.wait_dma2 semaphore(%run_scoped3A : memref<!tpu.dma_semaphore, #tpu.memory_space<semaphore_mem>>) src(%dma_wait3A_36 : memref<128xi32, #tpu.memory_space<hbm>>) dst(%arg8 : memref<128xi32, #tpu.memory_space<vmem>>)
      tpu.yield
    }) : () -> ()
    %dma_start3A_27 = arith.constant 0 : i32
    %dma_start3A_28 = arith.constant 0 : i32
    %dma_start3A_29 = tpu.memref_slice %arg3[%dma_start3A_27, %dma_start3A_28] : memref<100x32xf32, #tpu.memory_space<hbm>> -> memref<100x32xf32, #tpu.memory_space<hbm>>
    tpu.enqueue_indirect_dma source(%dma_start3A_29 : memref<100x32xf32, #tpu.memory_space<hbm>>) target(%arg9 : memref<128x32xf32, #tpu.memory_space<vmem>>) offsets(%arg8 : memref<128xi32, #tpu.memory_space<vmem>>) semaphore(%arg10 : memref<!tpu.dma_semaphore, #tpu.memory_space<semaphore_mem>>)
    %dma_wait3A_30 = arith.constant 0 : i32
    %dma_wait3A_31 = arith.constant 0 : i32
    %dma_wait3A_32 = tpu.memref_slice %arg3[%dma_wait3A_30, %dma_wait3A_31] : memref<100x32xf32, #tpu.memory_space<hbm>> -> memref<100x32xf32, #tpu.memory_space<hbm>>
    tpu.wait_indirect_dma semaphore(%arg10 : memref<!tpu.dma_semaphore, #tpu.memory_space<semaphore_mem>>) src(%dma_wait3A_32 : memref<100x32xf32, #tpu.memory_space<hbm>>) dst(%arg9 : memref<128x32xf32, #tpu.memory_space<vmem>>)
    "tpu.region"() ({
      %run_scoped3A = tpu.sem_alloc : memref<!tpu.dma_semaphore, #tpu.memory_space<semaphore_mem>>
      %dma_start3A_33 = arith.constant 0 : i32
      %dma_start3A_34 = tpu.memref_slice %arg7[%add3A_26, %dma_start3A_33] : memref<8192x32xf32, #tpu.memory_space<hbm>> -> memref<128x32xf32, #tpu.memory_space<hbm>>
      %dma_start3A_35 = arith.constant 0 : i32
      %dma_start3A_36 = tpu.memref_slice %arg7[%add3A_26, %dma_start3A_35] : memref<8192x32xf32, #tpu.memory_space<hbm>> -> memref<128x32xf32, #tpu.memory_space<hbm>>
      tpu.enqueue_dma source(%arg9 : memref<128x32xf32, #tpu.memory_space<vmem>>) target(%dma_start3A_36 : memref<128x32xf32, #tpu.memory_space<hbm>>) target_semaphore(%run_scoped3A : memref<!tpu.dma_semaphore, #tpu.memory_space<semaphore_mem>>)
      %dma_wait3A_37 = arith.constant 0 : i32
      %dma_wait3A_38 = tpu.memref_slice %arg7[%add3A_26, %dma_wait3A_37] : memref<8192x32xf32, #tpu.memory_space<hbm>> -> memref<128x32xf32, #tpu.memory_space<hbm>>
      %dma_wait3A_39 = arith.constant 0 : i32
      %dma_wait3A_40 = tpu.memref_slice %arg7[%add3A_26, %dma_wait3A_39] : memref<8192x32xf32, #tpu.memory_space<hbm>> -> memref<128x32xf32, #tpu.memory_space<hbm>>
      tpu.wait_dma2 semaphore(%run_scoped3A : memref<!tpu.dma_semaphore, #tpu.memory_space<semaphore_mem>>) src(%arg9 : memref<128x32xf32, #tpu.memory_space<vmem>>) dst(%dma_wait3A_40 : memref<128x32xf32, #tpu.memory_space<hbm>>)
      tpu.yield
    }) : () -> ()
    return
  }
}

module attributes {stable_mosaic.version = 14 : i64} {
  func.func @_argmin_body(%arg0: i32, %arg1: memref<512x32xf32, #tpu.memory_space<vmem>>, %arg2: memref<512x1xf32, #tpu.memory_space<vmem>>, %arg3: memref<32x10240xf32, #tpu.memory_space<vmem>>, %arg4: memref<1x10240xf32, #tpu.memory_space<vmem>>, %arg5: memref<32x128xf32, #tpu.memory_space<vmem>>, %arg6: memref<1x128xf32, #tpu.memory_space<vmem>>, %arg7: memref<512x1xi32, #tpu.memory_space<vmem>>, %arg8: memref<512x1xi32, #tpu.memory_space<vmem>>) attributes {dimension_semantics = [#tpu.dimension_semantics<arbitrary>], iteration_bounds = array<i64: 16>, scalar_prefetch = 0 : i64, scratch_operands = 0 : i64, tpu.core_type = #tpu.core_type<tc>, window_params = [{transform_indices = @transform_0, window_bounds = array<i64: 512, 32>}, {transform_indices = @transform_1, window_bounds = array<i64: 512, 1>}, {pipeline_mode = #tpu.pipeline_mode<synchronous>, transform_indices = @transform_2, window_bounds = array<i64: 32, 10240>}, {pipeline_mode = #tpu.pipeline_mode<synchronous>, transform_indices = @transform_3, window_bounds = array<i64: 1, 10240>}, {pipeline_mode = #tpu.pipeline_mode<synchronous>, transform_indices = @transform_4, window_bounds = array<i64: 32, 128>}, {pipeline_mode = #tpu.pipeline_mode<synchronous>, transform_indices = @transform_5, window_bounds = array<i64: 1, 128>}, {transform_indices = @transform_6, window_bounds = array<i64: 512, 1>}, {transform_indices = @transform_7, window_bounds = array<i64: 512, 1>}]} {
    %get3A = arith.constant 0 : index
    %get3A_0 = arith.constant 0 : index
    %get3A_1 = vector.load %arg1[%get3A, %get3A_0] : memref<512x32xf32, #tpu.memory_space<vmem>>, vector<512x32xf32>
    %get3A_2 = arith.constant 0 : index
    %get3A_3 = arith.constant 0 : index
    %get3A_4 = vector.load %arg2[%get3A_2, %get3A_3] : memref<512x1xf32, #tpu.memory_space<vmem>>, vector<512x1xf32>
    %broadcast_in_dim3A = arith.constant 0x7F800000 : f32
    %broadcast_in_dim3A_5 = vector.broadcast %broadcast_in_dim3A : f32 to vector<512x1xf32>
    %broadcast_in_dim3A_6 = arith.constant 0 : i32
    %broadcast_in_dim3A_7 = vector.broadcast %broadcast_in_dim3A_6 : i32 to vector<512x1xi32>
    %get3A_8 = arith.constant 0 : index
    %get3A_9 = arith.constant 0 : index
    %get3A_10 = vector.load %arg3[%get3A_8, %get3A_9] : memref<32x10240xf32, #tpu.memory_space<vmem>>, vector<32x2048xf32>
    %get3A_11 = arith.constant 0 : index
    %get3A_12 = arith.constant 0 : index
    %get3A_13 = vector.load %arg4[%get3A_11, %get3A_12] : memref<1x10240xf32, #tpu.memory_space<vmem>>, vector<1x2048xf32>
    %dot_general3A = arith.constant dense<0.000000e+00> : vector<512x2048xf32>
    %dot_general3A_14 = tpu.matmul %get3A_1, %get3A_10, %dot_general3A {dimension_numbers = #tpu.dot_dimension_numbers<[1], [0], [0], [1], [0, 0, 1, 1], [], []>, transpose_lhs_hint = false} : vector<512x32xf32>, vector<32x2048xf32>, vector<512x2048xf32> -> vector<512x2048xf32>
    %add3A = vector.broadcast %get3A_4 : vector<512x1xf32> to vector<512x2048xf32>
    %add3A_15 = vector.broadcast %get3A_13 : vector<1x2048xf32> to vector<512x2048xf32>
    %add3A_16 = arith.addf %add3A, %add3A_15 : vector<512x2048xf32>
    %mul3A = arith.constant 2.000000e+00 : f32
    %mul3A_17 = vector.broadcast %mul3A : f32 to vector<512x2048xf32>
    %mul3A_18 = arith.mulf %mul3A_17, %dot_general3A_14 : vector<512x2048xf32>
    %sub3A = arith.subf %add3A_16, %mul3A_18 : vector<512x2048xf32>
    %reduce_min3A = arith.constant dense<0x7F800000> : vector<512xf32>
    %reduce_min3A_19 = vector.multi_reduction <minimumf>, %sub3A, %reduce_min3A [1] : vector<512x2048xf32> to vector<512xf32>
    %broadcast_in_dim3A_20 = vector.shape_cast %reduce_min3A_19 : vector<512xf32> to vector<512x1xf32>
    %iota3A = tpu.iota {dimensions = array<i32: 1>} : vector<512x2048xi32>
    %eq3A = vector.broadcast %broadcast_in_dim3A_20 : vector<512x1xf32> to vector<512x2048xf32>
    %eq3A_21 = arith.cmpf oeq, %sub3A, %eq3A : vector<512x2048xf32>
    %jit3A = arith.constant 1073741824 : i32
    %broadcast_in_dim3A_22 = vector.broadcast %jit3A : i32 to vector<512x2048xi32>
    %select_n3A = arith.select %eq3A_21, %iota3A, %broadcast_in_dim3A_22 : vector<512x2048xi1>, vector<512x2048xi32>
    %reduce_min3A_23 = arith.constant dense<2147483647> : vector<512xi32>
    %reduce_min3A_24 = vector.multi_reduction <minsi>, %select_n3A, %reduce_min3A_23 [1] : vector<512x2048xi32> to vector<512xi32>
    %broadcast_in_dim3A_25 = vector.shape_cast %reduce_min3A_24 : vector<512xi32> to vector<512x1xi32>
    %lt3A = arith.cmpf olt, %broadcast_in_dim3A_20, %broadcast_in_dim3A_5 : vector<512x1xf32>
    %add3A_26 = arith.constant 0 : i32
    %add3A_27 = vector.broadcast %add3A_26 : i32 to vector<512x1xi32>
    %add3A_28 = arith.addi %broadcast_in_dim3A_25, %add3A_27 : vector<512x1xi32>
    %select_n3A_29 = arith.select %lt3A, %add3A_28, %broadcast_in_dim3A_7 : vector<512x1xi1>, vector<512x1xi32>
    %select_n3A_30 = arith.select %lt3A, %broadcast_in_dim3A_20, %broadcast_in_dim3A_5 : vector<512x1xi1>, vector<512x1xf32>
    %get3A_31 = arith.constant 0 : index
    %get3A_32 = arith.constant 2048 : index
    %get3A_33 = vector.load %arg3[%get3A_31, %get3A_32] : memref<32x10240xf32, #tpu.memory_space<vmem>>, vector<32x2048xf32>
    %get3A_34 = arith.constant 0 : index
    %get3A_35 = arith.constant 2048 : index
    %get3A_36 = vector.load %arg4[%get3A_34, %get3A_35] : memref<1x10240xf32, #tpu.memory_space<vmem>>, vector<1x2048xf32>
    %dot_general3A_37 = arith.constant dense<0.000000e+00> : vector<512x2048xf32>
    %dot_general3A_38 = tpu.matmul %get3A_1, %get3A_33, %dot_general3A_37 {dimension_numbers = #tpu.dot_dimension_numbers<[1], [0], [0], [1], [0, 0, 1, 1], [], []>, transpose_lhs_hint = false} : vector<512x32xf32>, vector<32x2048xf32>, vector<512x2048xf32> -> vector<512x2048xf32>
    %add3A_39 = vector.broadcast %get3A_4 : vector<512x1xf32> to vector<512x2048xf32>
    %add3A_40 = vector.broadcast %get3A_36 : vector<1x2048xf32> to vector<512x2048xf32>
    %add3A_41 = arith.addf %add3A_39, %add3A_40 : vector<512x2048xf32>
    %mul3A_42 = arith.constant 2.000000e+00 : f32
    %mul3A_43 = vector.broadcast %mul3A_42 : f32 to vector<512x2048xf32>
    %mul3A_44 = arith.mulf %mul3A_43, %dot_general3A_38 : vector<512x2048xf32>
    %sub3A_45 = arith.subf %add3A_41, %mul3A_44 : vector<512x2048xf32>
    %reduce_min3A_46 = arith.constant dense<0x7F800000> : vector<512xf32>
    %reduce_min3A_47 = vector.multi_reduction <minimumf>, %sub3A_45, %reduce_min3A_46 [1] : vector<512x2048xf32> to vector<512xf32>
    %broadcast_in_dim3A_48 = vector.shape_cast %reduce_min3A_47 : vector<512xf32> to vector<512x1xf32>
    %iota3A_49 = tpu.iota {dimensions = array<i32: 1>} : vector<512x2048xi32>
    %eq3A_50 = vector.broadcast %broadcast_in_dim3A_48 : vector<512x1xf32> to vector<512x2048xf32>
    %eq3A_51 = arith.cmpf oeq, %sub3A_45, %eq3A_50 : vector<512x2048xf32>
    %jit3A_52 = arith.constant 1073741824 : i32
    %broadcast_in_dim3A_53 = vector.broadcast %jit3A_52 : i32 to vector<512x2048xi32>
    %select_n3A_54 = arith.select %eq3A_51, %iota3A_49, %broadcast_in_dim3A_53 : vector<512x2048xi1>, vector<512x2048xi32>
    %reduce_min3A_55 = arith.constant dense<2147483647> : vector<512xi32>
    %reduce_min3A_56 = vector.multi_reduction <minsi>, %select_n3A_54, %reduce_min3A_55 [1] : vector<512x2048xi32> to vector<512xi32>
    %broadcast_in_dim3A_57 = vector.shape_cast %reduce_min3A_56 : vector<512xi32> to vector<512x1xi32>
    %lt3A_58 = arith.cmpf olt, %broadcast_in_dim3A_48, %select_n3A_30 : vector<512x1xf32>
    %add3A_59 = arith.constant 2048 : i32
    %add3A_60 = vector.broadcast %add3A_59 : i32 to vector<512x1xi32>
    %add3A_61 = arith.addi %broadcast_in_dim3A_57, %add3A_60 : vector<512x1xi32>
    %select_n3A_62 = arith.select %lt3A_58, %add3A_61, %select_n3A_29 : vector<512x1xi1>, vector<512x1xi32>
    %select_n3A_63 = arith.select %lt3A_58, %broadcast_in_dim3A_48, %select_n3A_30 : vector<512x1xi1>, vector<512x1xf32>
    %get3A_64 = arith.constant 0 : index
    %get3A_65 = arith.constant 4096 : index
    %get3A_66 = vector.load %arg3[%get3A_64, %get3A_65] : memref<32x10240xf32, #tpu.memory_space<vmem>>, vector<32x2048xf32>
    %get3A_67 = arith.constant 0 : index
    %get3A_68 = arith.constant 4096 : index
    %get3A_69 = vector.load %arg4[%get3A_67, %get3A_68] : memref<1x10240xf32, #tpu.memory_space<vmem>>, vector<1x2048xf32>
    %dot_general3A_70 = arith.constant dense<0.000000e+00> : vector<512x2048xf32>
    %dot_general3A_71 = tpu.matmul %get3A_1, %get3A_66, %dot_general3A_70 {dimension_numbers = #tpu.dot_dimension_numbers<[1], [0], [0], [1], [0, 0, 1, 1], [], []>, transpose_lhs_hint = false} : vector<512x32xf32>, vector<32x2048xf32>, vector<512x2048xf32> -> vector<512x2048xf32>
    %add3A_72 = vector.broadcast %get3A_4 : vector<512x1xf32> to vector<512x2048xf32>
    %add3A_73 = vector.broadcast %get3A_69 : vector<1x2048xf32> to vector<512x2048xf32>
    %add3A_74 = arith.addf %add3A_72, %add3A_73 : vector<512x2048xf32>
    %mul3A_75 = arith.constant 2.000000e+00 : f32
    %mul3A_76 = vector.broadcast %mul3A_75 : f32 to vector<512x2048xf32>
    %mul3A_77 = arith.mulf %mul3A_76, %dot_general3A_71 : vector<512x2048xf32>
    %sub3A_78 = arith.subf %add3A_74, %mul3A_77 : vector<512x2048xf32>
    %reduce_min3A_79 = arith.constant dense<0x7F800000> : vector<512xf32>
    %reduce_min3A_80 = vector.multi_reduction <minimumf>, %sub3A_78, %reduce_min3A_79 [1] : vector<512x2048xf32> to vector<512xf32>
    %broadcast_in_dim3A_81 = vector.shape_cast %reduce_min3A_80 : vector<512xf32> to vector<512x1xf32>
    %iota3A_82 = tpu.iota {dimensions = array<i32: 1>} : vector<512x2048xi32>
    %eq3A_83 = vector.broadcast %broadcast_in_dim3A_81 : vector<512x1xf32> to vector<512x2048xf32>
    %eq3A_84 = arith.cmpf oeq, %sub3A_78, %eq3A_83 : vector<512x2048xf32>
    %jit3A_85 = arith.constant 1073741824 : i32
    %broadcast_in_dim3A_86 = vector.broadcast %jit3A_85 : i32 to vector<512x2048xi32>
    %select_n3A_87 = arith.select %eq3A_84, %iota3A_82, %broadcast_in_dim3A_86 : vector<512x2048xi1>, vector<512x2048xi32>
    %reduce_min3A_88 = arith.constant dense<2147483647> : vector<512xi32>
    %reduce_min3A_89 = vector.multi_reduction <minsi>, %select_n3A_87, %reduce_min3A_88 [1] : vector<512x2048xi32> to vector<512xi32>
    %broadcast_in_dim3A_90 = vector.shape_cast %reduce_min3A_89 : vector<512xi32> to vector<512x1xi32>
    %lt3A_91 = arith.cmpf olt, %broadcast_in_dim3A_81, %select_n3A_63 : vector<512x1xf32>
    %add3A_92 = arith.constant 4096 : i32
    %add3A_93 = vector.broadcast %add3A_92 : i32 to vector<512x1xi32>
    %add3A_94 = arith.addi %broadcast_in_dim3A_90, %add3A_93 : vector<512x1xi32>
    %select_n3A_95 = arith.select %lt3A_91, %add3A_94, %select_n3A_62 : vector<512x1xi1>, vector<512x1xi32>
    %select_n3A_96 = arith.select %lt3A_91, %broadcast_in_dim3A_81, %select_n3A_63 : vector<512x1xi1>, vector<512x1xf32>
    %get3A_97 = arith.constant 0 : index
    %get3A_98 = arith.constant 6144 : index
    %get3A_99 = vector.load %arg3[%get3A_97, %get3A_98] : memref<32x10240xf32, #tpu.memory_space<vmem>>, vector<32x2048xf32>
    %get3A_100 = arith.constant 0 : index
    %get3A_101 = arith.constant 6144 : index
    %get3A_102 = vector.load %arg4[%get3A_100, %get3A_101] : memref<1x10240xf32, #tpu.memory_space<vmem>>, vector<1x2048xf32>
    %dot_general3A_103 = arith.constant dense<0.000000e+00> : vector<512x2048xf32>
    %dot_general3A_104 = tpu.matmul %get3A_1, %get3A_99, %dot_general3A_103 {dimension_numbers = #tpu.dot_dimension_numbers<[1], [0], [0], [1], [0, 0, 1, 1], [], []>, transpose_lhs_hint = false} : vector<512x32xf32>, vector<32x2048xf32>, vector<512x2048xf32> -> vector<512x2048xf32>
    %add3A_105 = vector.broadcast %get3A_4 : vector<512x1xf32> to vector<512x2048xf32>
    %add3A_106 = vector.broadcast %get3A_102 : vector<1x2048xf32> to vector<512x2048xf32>
    %add3A_107 = arith.addf %add3A_105, %add3A_106 : vector<512x2048xf32>
    %mul3A_108 = arith.constant 2.000000e+00 : f32
    %mul3A_109 = vector.broadcast %mul3A_108 : f32 to vector<512x2048xf32>
    %mul3A_110 = arith.mulf %mul3A_109, %dot_general3A_104 : vector<512x2048xf32>
    %sub3A_111 = arith.subf %add3A_107, %mul3A_110 : vector<512x2048xf32>
    %reduce_min3A_112 = arith.constant dense<0x7F800000> : vector<512xf32>
    %reduce_min3A_113 = vector.multi_reduction <minimumf>, %sub3A_111, %reduce_min3A_112 [1] : vector<512x2048xf32> to vector<512xf32>
    %broadcast_in_dim3A_114 = vector.shape_cast %reduce_min3A_113 : vector<512xf32> to vector<512x1xf32>
    %iota3A_115 = tpu.iota {dimensions = array<i32: 1>} : vector<512x2048xi32>
    %eq3A_116 = vector.broadcast %broadcast_in_dim3A_114 : vector<512x1xf32> to vector<512x2048xf32>
    %eq3A_117 = arith.cmpf oeq, %sub3A_111, %eq3A_116 : vector<512x2048xf32>
    %jit3A_118 = arith.constant 1073741824 : i32
    %broadcast_in_dim3A_119 = vector.broadcast %jit3A_118 : i32 to vector<512x2048xi32>
    %select_n3A_120 = arith.select %eq3A_117, %iota3A_115, %broadcast_in_dim3A_119 : vector<512x2048xi1>, vector<512x2048xi32>
    %reduce_min3A_121 = arith.constant dense<2147483647> : vector<512xi32>
    %reduce_min3A_122 = vector.multi_reduction <minsi>, %select_n3A_120, %reduce_min3A_121 [1] : vector<512x2048xi32> to vector<512xi32>
    %broadcast_in_dim3A_123 = vector.shape_cast %reduce_min3A_122 : vector<512xi32> to vector<512x1xi32>
    %lt3A_124 = arith.cmpf olt, %broadcast_in_dim3A_114, %select_n3A_96 : vector<512x1xf32>
    %add3A_125 = arith.constant 6144 : i32
    %add3A_126 = vector.broadcast %add3A_125 : i32 to vector<512x1xi32>
    %add3A_127 = arith.addi %broadcast_in_dim3A_123, %add3A_126 : vector<512x1xi32>
    %select_n3A_128 = arith.select %lt3A_124, %add3A_127, %select_n3A_95 : vector<512x1xi1>, vector<512x1xi32>
    %select_n3A_129 = arith.select %lt3A_124, %broadcast_in_dim3A_114, %select_n3A_96 : vector<512x1xi1>, vector<512x1xf32>
    %get3A_130 = arith.constant 0 : index
    %get3A_131 = arith.constant 8192 : index
    %get3A_132 = vector.load %arg3[%get3A_130, %get3A_131] : memref<32x10240xf32, #tpu.memory_space<vmem>>, vector<32x2048xf32>
    %get3A_133 = arith.constant 0 : index
    %get3A_134 = arith.constant 8192 : index
    %get3A_135 = vector.load %arg4[%get3A_133, %get3A_134] : memref<1x10240xf32, #tpu.memory_space<vmem>>, vector<1x2048xf32>
    %dot_general3A_136 = arith.constant dense<0.000000e+00> : vector<512x2048xf32>
    %dot_general3A_137 = tpu.matmul %get3A_1, %get3A_132, %dot_general3A_136 {dimension_numbers = #tpu.dot_dimension_numbers<[1], [0], [0], [1], [0, 0, 1, 1], [], []>, transpose_lhs_hint = false} : vector<512x32xf32>, vector<32x2048xf32>, vector<512x2048xf32> -> vector<512x2048xf32>
    %add3A_138 = vector.broadcast %get3A_4 : vector<512x1xf32> to vector<512x2048xf32>
    %add3A_139 = vector.broadcast %get3A_135 : vector<1x2048xf32> to vector<512x2048xf32>
    %add3A_140 = arith.addf %add3A_138, %add3A_139 : vector<512x2048xf32>
    %mul3A_141 = arith.constant 2.000000e+00 : f32
    %mul3A_142 = vector.broadcast %mul3A_141 : f32 to vector<512x2048xf32>
    %mul3A_143 = arith.mulf %mul3A_142, %dot_general3A_137 : vector<512x2048xf32>
    %sub3A_144 = arith.subf %add3A_140, %mul3A_143 : vector<512x2048xf32>
    %reduce_min3A_145 = arith.constant dense<0x7F800000> : vector<512xf32>
    %reduce_min3A_146 = vector.multi_reduction <minimumf>, %sub3A_144, %reduce_min3A_145 [1] : vector<512x2048xf32> to vector<512xf32>
    %broadcast_in_dim3A_147 = vector.shape_cast %reduce_min3A_146 : vector<512xf32> to vector<512x1xf32>
    %iota3A_148 = tpu.iota {dimensions = array<i32: 1>} : vector<512x2048xi32>
    %eq3A_149 = vector.broadcast %broadcast_in_dim3A_147 : vector<512x1xf32> to vector<512x2048xf32>
    %eq3A_150 = arith.cmpf oeq, %sub3A_144, %eq3A_149 : vector<512x2048xf32>
    %jit3A_151 = arith.constant 1073741824 : i32
    %broadcast_in_dim3A_152 = vector.broadcast %jit3A_151 : i32 to vector<512x2048xi32>
    %select_n3A_153 = arith.select %eq3A_150, %iota3A_148, %broadcast_in_dim3A_152 : vector<512x2048xi1>, vector<512x2048xi32>
    %reduce_min3A_154 = arith.constant dense<2147483647> : vector<512xi32>
    %reduce_min3A_155 = vector.multi_reduction <minsi>, %select_n3A_153, %reduce_min3A_154 [1] : vector<512x2048xi32> to vector<512xi32>
    %broadcast_in_dim3A_156 = vector.shape_cast %reduce_min3A_155 : vector<512xi32> to vector<512x1xi32>
    %lt3A_157 = arith.cmpf olt, %broadcast_in_dim3A_147, %select_n3A_129 : vector<512x1xf32>
    %add3A_158 = arith.constant 8192 : i32
    %add3A_159 = vector.broadcast %add3A_158 : i32 to vector<512x1xi32>
    %add3A_160 = arith.addi %broadcast_in_dim3A_156, %add3A_159 : vector<512x1xi32>
    %select_n3A_161 = arith.select %lt3A_157, %add3A_160, %select_n3A_128 : vector<512x1xi1>, vector<512x1xi32>
    %swap3A = arith.constant 0 : index
    %swap3A_162 = arith.constant 0 : index
    %swap3A_163 = vector.load %arg7[%swap3A, %swap3A_162] : memref<512x1xi32, #tpu.memory_space<vmem>>, vector<512x1xi32>
    tpu.vector_store %arg7[%swap3A, %swap3A_162], %select_n3A_161 {strides = array<i32>} : memref<512x1xi32, #tpu.memory_space<vmem>>, vector<512x1xi32>,
    %broadcast_in_dim3A_164 = arith.constant 0x7F800000 : f32
    %broadcast_in_dim3A_165 = vector.broadcast %broadcast_in_dim3A_164 : f32 to vector<512x1xf32>
    %broadcast_in_dim3A_166 = arith.constant 0 : i32
    %broadcast_in_dim3A_167 = vector.broadcast %broadcast_in_dim3A_166 : i32 to vector<512x1xi32>
    %get3A_168 = arith.constant 0 : index
    %get3A_169 = arith.constant 0 : index
    %get3A_170 = vector.load %arg5[%get3A_168, %get3A_169] : memref<32x128xf32, #tpu.memory_space<vmem>>, vector<32x128xf32>
    %get3A_171 = arith.constant 0 : index
    %get3A_172 = arith.constant 0 : index
    %get3A_173 = vector.load %arg6[%get3A_171, %get3A_172] : memref<1x128xf32, #tpu.memory_space<vmem>>, vector<1x128xf32>
    %dot_general3A_174 = arith.constant dense<0.000000e+00> : vector<512x128xf32>
    %dot_general3A_175 = tpu.matmul %get3A_1, %get3A_170, %dot_general3A_174 {dimension_numbers = #tpu.dot_dimension_numbers<[1], [0], [0], [1], [0, 0, 1, 1], [], []>, transpose_lhs_hint = false} : vector<512x32xf32>, vector<32x128xf32>, vector<512x128xf32> -> vector<512x128xf32>
    %add3A_176 = vector.broadcast %get3A_4 : vector<512x1xf32> to vector<512x128xf32>
    %add3A_177 = vector.broadcast %get3A_173 : vector<1x128xf32> to vector<512x128xf32>
    %add3A_178 = arith.addf %add3A_176, %add3A_177 : vector<512x128xf32>
    %mul3A_179 = arith.constant 2.000000e+00 : f32
    %mul3A_180 = vector.broadcast %mul3A_179 : f32 to vector<512x128xf32>
    %mul3A_181 = arith.mulf %mul3A_180, %dot_general3A_175 : vector<512x128xf32>
    %sub3A_182 = arith.subf %add3A_178, %mul3A_181 : vector<512x128xf32>
    %reduce_min3A_183 = arith.constant dense<0x7F800000> : vector<512xf32>
    %reduce_min3A_184 = vector.multi_reduction <minimumf>, %sub3A_182, %reduce_min3A_183 [1] : vector<512x128xf32> to vector<512xf32>
    %broadcast_in_dim3A_185 = vector.shape_cast %reduce_min3A_184 : vector<512xf32> to vector<512x1xf32>
    %iota3A_186 = tpu.iota {dimensions = array<i32: 1>} : vector<512x128xi32>
    %eq3A_187 = vector.broadcast %broadcast_in_dim3A_185 : vector<512x1xf32> to vector<512x128xf32>
    %eq3A_188 = arith.cmpf oeq, %sub3A_182, %eq3A_187 : vector<512x128xf32>
    %jit3A_189 = arith.constant 1073741824 : i32
    %broadcast_in_dim3A_190 = vector.broadcast %jit3A_189 : i32 to vector<512x128xi32>
    %select_n3A_191 = arith.select %eq3A_188, %iota3A_186, %broadcast_in_dim3A_190 : vector<512x128xi1>, vector<512x128xi32>
    %reduce_min3A_192 = arith.constant dense<2147483647> : vector<512xi32>
    %reduce_min3A_193 = vector.multi_reduction <minsi>, %select_n3A_191, %reduce_min3A_192 [1] : vector<512x128xi32> to vector<512xi32>
    %broadcast_in_dim3A_194 = vector.shape_cast %reduce_min3A_193 : vector<512xi32> to vector<512x1xi32>
    %lt3A_195 = arith.cmpf olt, %broadcast_in_dim3A_185, %broadcast_in_dim3A_165 : vector<512x1xf32>
    %add3A_196 = arith.constant 0 : i32
    %add3A_197 = vector.broadcast %add3A_196 : i32 to vector<512x1xi32>
    %add3A_198 = arith.addi %broadcast_in_dim3A_194, %add3A_197 : vector<512x1xi32>
    %select_n3A_199 = arith.select %lt3A_195, %add3A_198, %broadcast_in_dim3A_167 : vector<512x1xi1>, vector<512x1xi32>
    %swap3A_200 = arith.constant 0 : index
    %swap3A_201 = arith.constant 0 : index
    %swap3A_202 = vector.load %arg8[%swap3A_200, %swap3A_201] : memref<512x1xi32, #tpu.memory_space<vmem>>, vector<512x1xi32>
    tpu.vector_store %arg8[%swap3A_200, %swap3A_201], %select_n3A_199 {strides = array<i32>} : memref<512x1xi32, #tpu.memory_space<vmem>>, vector<512x1xi32>,
    return
  }
  func.func @transform_0(%arg0: i32) -> (i32, i32) {
    %c0_i32 = arith.constant 0 : i32
    %c0_i32_0 = arith.constant 0 : i32
    return %arg0, %c0_i32 : i32, i32
  }
  func.func @transform_1(%arg0: i32) -> (i32, i32) {
    %c0_i32 = arith.constant 0 : i32
    %c0_i32_0 = arith.constant 0 : i32
    return %arg0, %c0_i32 : i32, i32
  }
  func.func @transform_2(%arg0: i32) -> (i32, i32) {
    %c0_i32 = arith.constant 0 : i32
    %c0_i32_0 = arith.constant 0 : i32
    %c0_i32_1 = arith.constant 0 : i32
    return %c0_i32, %c0_i32_0 : i32, i32
  }
  func.func @transform_3(%arg0: i32) -> (i32, i32) {
    %c0_i32 = arith.constant 0 : i32
    %c0_i32_0 = arith.constant 0 : i32
    %c0_i32_1 = arith.constant 0 : i32
    return %c0_i32, %c0_i32_0 : i32, i32
  }
  func.func @transform_4(%arg0: i32) -> (i32, i32) {
    %c0_i32 = arith.constant 0 : i32
    %c0_i32_0 = arith.constant 0 : i32
    %c0_i32_1 = arith.constant 0 : i32
    return %c0_i32, %c0_i32_0 : i32, i32
  }
  func.func @transform_5(%arg0: i32) -> (i32, i32) {
    %c0_i32 = arith.constant 0 : i32
    %c0_i32_0 = arith.constant 0 : i32
    %c0_i32_1 = arith.constant 0 : i32
    return %c0_i32, %c0_i32_0 : i32, i32
  }
  func.func @transform_6(%arg0: i32) -> (i32, i32) {
    %c0_i32 = arith.constant 0 : i32
    %c0_i32_0 = arith.constant 0 : i32
    return %arg0, %c0_i32 : i32, i32
  }
  func.func @transform_7(%arg0: i32) -> (i32, i32) {
    %c0_i32 = arith.constant 0 : i32
    %c0_i32_0 = arith.constant 0 : i32
    return %arg0, %c0_i32 : i32, i32
  }
}

</mosaic_0001>

<sc_bundles>
// kernel: kernel.4.cloned.1.call-start
scs
__scs_entry_jumppad:
0x0: {  	(pc) =	sbr.rel $0x88, $3  }
0x1: {  	(tag) =	ssettag $0x0;
	lr =	simm.s32 $0x1  }
0x2: {  	[smem:$0x3F9E] =	sst lr;
	_ =	strace $0xD0000000  }
0x3: {  	_ = 	snop  }
0x4: {  	_ = 	snop  }
0x5: {  	_ = 	snop  }
0x6: {  	_ = 	snop  }
0x7: {  	_ = 	snop  }
__scs_overlays_trampoline_lowered:
0x8: {  	[smem:$0x3FAD] =	sst s0  }
0x9: {  	[smem:$0x3FAE] =	sst s1  }
0xa: {  	[smem:$0x3FAF] =	sst s2  }
0xb: {  	[smem:$0x3FB0] =	sst s3  }
0xc: {  	[smem:$0x3FB1] =	sst s4  }
0xd: {  	[smem:$0x3FB2] =	sst s5  }
0xe: {  	[smem:$0x3FB3] =	sst s6  }
0xf: {  	[smem:$0x3FB4] =	sst s7  }
0x10: {  	[smem:$0x3FB5] =	sst s8  }
0x11: {  	[smem:$0x3FB6] =	sst s9;
	s0 =	simm.s32 @!p0 $0x0  }
0x12: {  	s1 =	sld [smem:$0x3F9C];
	s0 =	simm.s32 @p0 $0x1  }
0x13: {  	[smem:$0x3FB7] =	sst s0;
	s0 =	simm.s32 @!p1 $0x0  }
0x14: {  	s2 =	sld [smem:$0x3F9B];
	s0 =	simm.s32 @p1 $0x1  }
0x15: {  	[smem:$0x3FB8] =	sst s0;
	s0 =	simm.s32 @!p2 $0x0  }
0x16: {  	s3 =	sld [smem:$0x3FDB];
	s0 =	simm.s32 @p2 $0x1  }
0x17: {  	s4 =	simm.s32 $0x1BF5;
	[smem:$0x3FBA] =	sst s0  }
0x18: {  	s0 =	sld [smem:$0x3F9D];
	_ =	swait.ge [sflag:s4], $0x0  }
0x19: {  	s7 =	sld [smem:$0x3F9E]  }
0x1a: {  	s8 =	sadd.s32 $0xFFFFE003, lr  }
0x1b: {  	s9 =	sadd.s32 $0xFFFFFEF7, lr;
	s5 =	simm.s32 $0xFFFFFFFF;
	p2 =	slt.u32 s8, $0xFFFFF086  }
0x1c: {  	p1 =	slt.u32 s9, $0xF7A;
	s5 =	simm.s32 @!p2 $0x0  }
0x1d: {  	s5 =	simm.s32 @p1 $0x1;
	p0 =	seq.s32 s7, s2  }
0x1e: {  	s7 =	smul.u32 @!p0 $0xF7A, s2;
	p2 =	seq.s32 @!p0 s5, $0x0  }
0x1f: {  	s9 =	smul.u32 $0xF7A, s1;
	s8 =	simm.s32 @!p0 $0x1BF5;
	p2 =	por !p2, p0  }
0x20: {  	[sflag:s8] =	ssyncset.s32 @!p0 $0xFFFFF086;
	s6 =	sadd.s32 @!p0 s3, s7;
	s7 =	simm.s32 @!p0 $0x108  }
0x21: {  	s3 =	sadd.s32 s3, s9;
	s6 =	sadd.s32 @!p0 $0x88, s6;
	s7 =	simm.s32 @p2 $0x1082  }
0x22: {  	[simem:s7], [sflag:s8] =	dma.local @!p0 [hbm:s6], $0xF7A  }
0x23: {  	s9 =	sor.u32 $0xD0000000, s2;
	s6 =	simm.s32 $0x108;
	_ =	swait.ge @!p0 [sflag:s8], $0x0  }
0x24: {  	s3 =	sadd.s32 $0x88, s3;
	s6 =	simm.s32 @!p1 $0x1082;
	[sflag:s4] =	ssyncset.s32 $0xFFFFF086  }
0x25: {  	[simem:s6], [sflag:s4] =	dma.local [hbm:s3], $0xF7A  }
0x26: {  	[smem:$0x3F9E] =	sst s1;
	(tag) =	ssettag s2;
	_ =	strace s9  }
0x27: {  	s1 =	sld [smem:$0x3FAE]  }
0x28: {  	s2 =	sld [smem:$0x3FAF]  }
0x29: {  	s4 =	sld [smem:$0x3FB1]  }
0x2a: {  	p0 =	seq.s32 s5, $0x0;
	s5 =	sld [smem:$0x3FB2]  }
0x2b: {  	s6 =	sld [smem:$0x3FB3]  }
0x2c: {  	s7 =	sld [smem:$0x3FB4]  }
0x2d: {  	s3 =	simm.s32 $0x108;
	s8 =	sld [smem:$0x3FB5]  }
0x2e: {  	s3 =	simm.s32 @!p0 $0x1082;
	s9 =	sld [smem:$0x3FB6]  }
0x2f: {  	lr =	sadd.s32 s0, s3;
	s0 =	sld [smem:$0x3FAD]  }
0x30: {  	s3 =	sld [smem:$0x3FB0]  }
0x31: {  	[smem:$0x3FB9] =	sst s10  }
0x32: {  	s10 =	sld [smem:$0x3FB7];
	_ =	sdelay $0x3  }
0x33: {  	p0 =	seq.s32 s10, $0x1;
	s10 =	sld [smem:$0x3FB9];
	_ =	sdelay $0x3  }
0x34: {  	[smem:$0x3FB9] =	sst s10  }
0x35: {  	s10 =	sld [smem:$0x3FB8];
	_ =	sdelay $0x3  }
0x36: {  	p1 =	seq.s32 s10, $0x1;
	s10 =	sld [smem:$0x3FB9];
	_ =	sdelay $0x3  }
0x37: {  	[smem:$0x3FB9] =	sst s10  }
0x38: {  	s10 =	sld [smem:$0x3FBA]  }
0x39: {  	_ = 	snop;
	(pc) =	sbr.ind lr, $3  }
0x3a: {  	_ = 	snop  }
0x3b: {  	_ = 	snop  }
0x3c: {  	p2 =	seq.s32 s10, $0x1;
	s10 =	sld [smem:$0x3FB9]  }
0x3d: {  	_ =	shalt  }
0x3e: {  	_ =	shalt  }
0x3f: {  	_ =	shalt  }
0x40: {  	_ =	shalt  }
0x41: {  	_ =	shalt  }
0x42: {  	_ =	shalt  }
0x43: {  	_ =	shalt  }
0x44: {  	_ =	shalt  }
0x45: {  	_ =	shalt  }
0x46: {  	_ =	shalt  }
0x47: {  	_ =	shalt  }
0x48: {  	_ =	shalt  }
0x49: {  	_ =	shalt  }
0x4a: {  	_ =	shalt  }
0x4b: {  	_ =	shalt  }
0x4c: {  	_ =	shalt  }
0x4d: {  	_ =	shalt  }
0x4e: {  	_ =	shalt  }
0x4f: {  	_ =	shalt  }
0x50: {  	_ =	shalt  }
0x51: {  	_ =	shalt  }
0x52: {  	_ =	shalt  }
0x53: {  	_ =	shalt  }
0x54: {  	_ =	shalt  }
0x55: {  	_ =	shalt  }
0x56: {  	_ =	shalt  }
0x57: {  	_ =	shalt  }
0x58: {  	_ =	shalt  }
0x59: {  	_ =	shalt  }
0x5a: {  	_ =	shalt  }
0x5b: {  	_ =	shalt  }
0x5c: {  	_ =	shalt  }
0x5d: {  	_ =	shalt  }
0x5e: {  	_ =	shalt  }
0x5f: {  	_ =	shalt  }
0x60: {  	_ =	shalt  }
0x61: {  	_ =	shalt  }
0x62: {  	_ =	shalt  }
0x63: {  	_ =	shalt  }
0x64: {  	_ =	shalt  }
0x65: {  	_ =	shalt  }
0x66: {  	_ =	shalt  }
0x67: {  	_ =	shalt  }
0x68: {  	_ =	shalt  }
0x69: {  	_ =	shalt  }
0x6a: {  	_ =	shalt  }
0x6b: {  	_ =	shalt  }
0x6c: {  	_ =	shalt  }
0x6d: {  	_ =	shalt  }
0x6e: {  	_ =	shalt  }
0x6f: {  	_ =	shalt  }
0x70: {  	_ =	shalt  }
0x71: {  	_ =	shalt  }
0x72: {  	_ =	shalt  }
0x73: {  	_ =	shalt  }
0x74: {  	_ =	shalt  }
0x75: {  	_ =	shalt  }
0x76: {  	_ =	shalt  }
0x77: {  	_ =	shalt  }
0x78: {  	_ =	shalt  }
0x79: {  	_ =	shalt  }
0x7a: {  	_ =	shalt  }
0x7b: {  	_ =	shalt  }
0x7c: {  	_ =	shalt  }
0x7d: {  	_ =	shalt  }
0x7e: {  	_ =	shalt  }
0x7f: {  	_ =	shalt  }
0x80: {  	_ =	shalt  }
0x81: {  	_ =	shalt  }
0x82: {  	_ =	shalt  }
0x83: {  	_ =	shalt  }
0x84: {  	_ =	shalt  }
0x85: {  	_ =	shalt  }
0x86: {  	_ =	shalt  }
0x87: {  	_ =	shalt  }
.Lfunc_end0:
.L_simem_size_0:
called_computation_lowered:
.L_overlay_start_0:
0x88: {  	s2 =	sld [smem:$0x3FD9]  }
0x89: {  	s3 =	sld [smem:$0x3FFE];
	_ =	sdelay $0x1  }
0x8a: {  	s1 =	srdreg.scid  }
0x8b: {  	s0 =	sand.u32 $0x1, s1  }
0x8c: {  	s17 =	sshll.u32 s0, $0xA;
	s2 =	sadd.s32 s3, s2  }
0x8d: {  	s2 =	sadd.s32 s2, s17  }
0x8e: {  	[smem:$0x3FC5] =	sst s2  }
0x8f: {  	_ = 	snop  }
0x90: {  	s2 =	sld [smem:$0x3FD0];
	(tm) =	ssettm $0x1  }
0x91: {  	s18 =	sld [smem:$0x3FFB];
	_ =	sdelay $0x3  }
0x92: {  	_ =	strace s18  }
0x93: {  	s3 =	sld [smem:$0x3FFC];
	_ =	sdelay $0x3  }
0x94: {  	_ =	strace s3  }
0x95: {  	s3 =	sld [smem:$0x3FFD];
	_ =	sdelay $0x3  }
0x96: {  	_ =	strace s3  }
0x97: {  	_ =	strace $0x8FFFFFFF  }
0x98: {  	s19 =	sld [smem:$0x3FDB];
	_ =	sdelay $0x1  }
0x99: {  	s4 =	simm.s32 $_scs_section_size  }
0x9a: {  	s5 =	simm.s32 $_size__tile_overlayer_lowered;
	s6 =	simm.s32 $_tile_overlayer_lowered  }
0x9b: {  	s22 =	simm.s32 $0x1BFF;
	s21 =	sshll.u32 s6, $0x1;
	s3 =	sadd.s32 s4, s19  }
0x9c: {  	s7 =	simm.s32 $0x0;
	s20 =	sshll.u32 s5, $0x1;
	s5 =	sadd.s32 s21, s3  }
0x9d: {  	[timem:s7], [sflag:s22] =	dma.local [hbm:s5], s20  }
0x9e: {  	_ =	swait.ge [sflag:s22], s20  }
0x9f: {  	s4 =	ssub.s32 $0x0, s20;
	[sflag:s22] =	ssyncset.done $0x0  }
0xa0: {  	[sflag:s22] =	ssyncadd.s32 s4;
	_ =	sdelay $0x1  }
0xa1: {  	s23 =	simm.s32 $0x1B8B  }
0xa2: {  	_ =	swait.ge [sflag:s23], $0x1  }
0xa3: {  	[sflag:s23] =	ssyncset.done $0x0  }
0xa4: {  	s25 =	simm.s32 $0x1B8E;
	s24 =	sld [smem:$0x3FFE];
	[sflag:s23] =	ssyncadd.s32 $0xFFFFFFFF  }
0xa5: {  	s26 =	simm.s32 $execute0_lowered;
	[smem:$0x3FD2] =	sst s25  }
0xa6: {  	s5 =	sshll.u32 s26, $0x1;
	_ =	strace $0x80000046;
	[dreg:$0x1] =	wrdreg $0xFFFFFFFF  }
0xa7: {  	s28 =	simm.s32 $_size_execute0_lowered;
	s3 =	sadd.s32 s3, s5;
	[dreg:$0x0] =	wrdreg $0x0  }
0xa8: {  	s5 =	sshll.u32 s28, $0x1;
	[dreg:$0x2] =	wrdreg s3  }
0xa9: {  	[dreg:$0x3] =	wrdreg s5  }
0xaa: {  	[dreg:$0x4] =	wrdreg $0xC0  }
0xab: {  	_ =	task [dreg:s7], $0x5FFFF  }
0xac: {  	[dreg:$0x1] =	wrdreg $0xFFFFFFFF  }
0xad: {  	[dreg:$0x0] =	wrdreg $0x60  }
0xae: {  	[dreg:$0x2] =	wrdreg s2  }
0xaf: {  	[dreg:$0x3] =	wrdreg s24  }
0xb0: {  	[dreg:$0x4] =	wrdreg $0x9  }
0xb1: {  	_ =	task.clear_ibuf [dreg:s7], $0x5FFFF;
	_ =	strace $0x90000046  }
0xb2: {  	s29 =	simm.s32 $0x9;
	_ =	strace $0x80000048  }
0xb3: {  	_ =	swait.ge [sflag:s29], $0x1  }
0xb4: {  	[sflag:s29] =	ssyncadd.s32 $0xFFFFFFFF  }
0xb5: {  	_ =	strace $0x90000048  }
0xb6: {  	_ =	sfence  }
0xb7: {  	s30 =	sld [smem:$0x0];
	_ =	sdelay $0x2  }
0xb8: {  	s31 =	sshll.u32 s1, $0xD;
	s1 =	sshrl.u32 s1, $0x2  }
0xb9: {  	s3 =	sand.u32 $0x4000, s31;
	s1 =	sadd.s32 s1, s30  }
0xba: {  	s0 =	sor.u32 s3, s0;
	s1 =	sshll.u32 s1, $0x11  }
0xbb: {  	s0 =	sor.u32 s1, s0  }
0xbc: {  	s0 =	sadd.s32 $0x8F2B, s0  }
0xbd: {  	[sflag:s0] =	ssyncadd.remote.s32 $0x1  }
0xbe: {  	_ =	sfence.sel $0xFFFF  }
0xbf: {  	[dreg:$0x0] =	wrdreg $0xFFFFFFFF;
	(pc) =	sbr.abs _section_cstart, $3  }
0xc0: {  	[dreg:$0x1] =	wrdreg $0xFFFFFFFF  }
0xc1: {  	_ =	task.clear_ibuf [dreg:s7], $0x2FFFF;
	_ =	strace $0x9FFFFFFF  }
0xc2: {  	(tm) =	ssettm $0x7FFFFFFF  }
0xc3: {  	_ =	shalt  }
tec
execute0_lowered:
.L_overlay_start_1:
0x0: {  	(tag) =	ssettag $0x1  }
0x1: {  	s1 =	srdreg.scid  }
0x2: {  	s2 =	rddreg [dreg:$0x0];
	s0 =	stileid.u32;
	s15 =	sand.u32 $0x1, s1  }
0x3: {  	s14 =	rddreg [dreg:$0x1];
	s4 =	sshll.u32 s0, $0x9;
	s5 =	sshll.u32 s15, $0x8  }
0x4: {  	s3 =	simm.s32 $0x0;
	s1 =	rddreg [dreg:$0x2];
	s9 =	sor.u32 s5, s4  }
0x5: {  	[smem:$0x7FF] =	sst s3;
	s10 =	sadd.s32 $0x400, s14;
	s11 =	sshrl.u32 s9, $0x3  }
0x6: {  	_ =	strace $0x80000047;
	s4 =	simm.s32 $0x2;
	s5 =	sadd.s32 s10, s11  }
0x7: {  	[tilespmem:s3], [sflag:$0x2] =	stream.linear.gather [hbm4b:s5+s3], $0x80, $0x38;
	[tilespmem:$0x1080] =	vst v63  }
0x8: {  	_ =	swait.ge [sflag:s4], $0x80  }
0x9: {  	[sflag:s4] =	ssyncset.done $0x0  }
0xa: {  	s6 =	simm.s32 $0x80;
	s7 =	simm.s32 $0x1;
	[sflag:s4] =	ssyncadd.s32 $0xFFFFFF80  }
0xb: {  	[tilespmem:s6], [sflag:$0x1] =	stream.indirect.gather [hbm4b:s2+s6], $0x20, s3, s6, $0xb8;
	[tilespmem:$0x1080] =	vst v63  }
0xc: {  	_ =	swait.ge [sflag:s7], $0x1000  }
0xd: {  	s12 =	sadd.s32 $0xA00, s14;
	s13 =	sshll.u32 s9, $0x2;
	[sflag:s7] =	ssyncset.done $0x0  }
0xe: {  	s8 =	sadd.s32 s12, s13;
	[sflag:s7] =	ssyncadd.s32 $0xFFFFF000  }
0xf: {  	[hbm4b:s8+s3] =	stream.linear.scatter [tilespmem:s6], [sflag:$0x2], $0x1000, $0x38;
	[tilespmem:$0x1080] =	vst v63  }
0x10: {  	s16 =	sor.u32 $0x80, s9;
	_ =	swait.ge [sflag:s4], $0x1000  }
0x11: {  	s17 =	sshrl.u32 s16, $0x3;
	[sflag:s4] =	ssyncset.done $0x0  }
0x12: {  	s9 =	sadd.s32 s10, s17;
	[sflag:s4] =	ssyncadd.s32 $0xFFFFF000  }
0x13: {  	[tilespmem:s3], [sflag:$0x2] =	stream.linear.gather [hbm4b:s9+s3], $0x80, $0x38;
	[tilespmem:$0x1080] =	vst v63  }
0x14: {  	_ =	swait.ge [sflag:s4], $0x80  }
0x15: {  	[sflag:s4] =	ssyncset.done $0x0  }
0x16: {  	[sflag:s4] =	ssyncadd.s32 $0xFFFFFF80  }
0x17: {  	[tilespmem:s6], [sflag:$0x1] =	stream.indirect.gather [hbm4b:s2+s6], $0x20, s3, s6, $0xb8;
	[tilespmem:$0x1080] =	vst v63  }
0x18: {  	_ =	swait.ge [sflag:s7], $0x1000  }
0x19: {  	s16 =	sshll.u32 s16, $0x2;
	[sflag:s7] =	ssyncset.done $0x0  }
0x1a: {  	s10 =	sadd.s32 s12, s16;
	[sflag:s7] =	ssyncadd.s32 $0xFFFFF000  }
0x1b: {  	[hbm4b:s10+s3] =	stream.linear.scatter [tilespmem:s6], [sflag:$0x2], $0x1000, $0x38;
	[tilespmem:$0x1080] =	vst v63  }
0x1c: {  	_ =	swait.ge [sflag:s4], $0x1000  }
0x1d: {  	[sflag:s4] =	ssyncset.done $0x0  }
0x1e: {  	s11 =	sadd.s32 s14, s11;
	[sflag:s4] =	ssyncadd.s32 $0xFFFFF000  }
0x1f: {  	[tilespmem:s3], [sflag:$0x2] =	stream.linear.gather [hbm4b:s11+s3], $0x80, $0x38;
	[tilespmem:$0x1080] =	vst v63  }
0x20: {  	_ =	swait.ge [sflag:s4], $0x80  }
0x21: {  	[sflag:s4] =	ssyncset.done $0x0  }
0x22: {  	s12 =	sadd.s32 $0x800, s14;
	[sflag:s4] =	ssyncadd.s32 $0xFFFFFF80  }
0x23: {  	[tilespmem:s6], [sflag:$0x1] =	stream.indirect.gather [hbm4b:s12+s6], $0x20, s3, s6, $0xb8;
	[tilespmem:$0x1080] =	vst v63  }
0x24: {  	_ =	swait.ge [sflag:s7], $0x1000  }
0x25: {  	s18 =	sadd.s32 $0x8A00, s14;
	[sflag:s7] =	ssyncset.done $0x0  }
0x26: {  	s13 =	sadd.s32 s18, s13;
	[sflag:s7] =	ssyncadd.s32 $0xFFFFF000  }
0x27: {  	[hbm4b:s13+s3] =	stream.linear.scatter [tilespmem:s6], [sflag:$0x2], $0x1000, $0x38;
	[tilespmem:$0x1080] =	vst v63  }
0x28: {  	_ =	swait.ge [sflag:s4], $0x1000  }
0x29: {  	[sflag:s4] =	ssyncset.done $0x0  }
0x2a: {  	s15 =	ssub.s32 $0x2, s15;
	s14 =	sadd.s32 s14, s17;
	[sflag:s4] =	ssyncadd.s32 $0xFFFFF000  }
0x2b: {  	[tilespmem:s3], [sflag:$0x2] =	stream.linear.gather [hbm4b:s14+s3], $0x80, $0x38;
	[tilespmem:$0x1080] =	vst v63  }
0x2c: {  	s30 =	sshrl.u32 s15, $0x1;
	_ =	swait.ge [sflag:s4], $0x80  }
0x2d: {  	s17 =	ssub.s32 s15, s30;
	[sflag:s4] =	ssyncset.done $0x0  }
0x2e: {  	s31 =	smax.u32 s17, $0x1;
	[sflag:s4] =	ssyncadd.s32 $0xFFFFFF80  }
0x2f: {  	[tilespmem:s6], [sflag:$0x1] =	stream.indirect.gather [hbm4b:s12+s6], $0x20, s3, s6, $0xb8;
	[tilespmem:$0x1080] =	vst v63  }
0x30: {  	p0 =	sne.s32 s31, $0x1;
	_ =	swait.ge [sflag:s7], $0x1000  }
.Ltmp0:
0x31: {  	[sflag:s7] =	ssyncset.done $0x0;
	(pc) =	sbr.rel @!p0 .LBB2_2-.Ltmp0, $4  }
0x32: {  	s15 =	sadd.s32 s18, s16;
	[sflag:s7] =	ssyncadd.s32 $0xFFFFF000  }
0x33: {  	[hbm4b:s15+s3] =	stream.linear.scatter [tilespmem:s6], [sflag:$0x2], $0x1000, $0x38;
	[tilespmem:$0x1080] =	vst v63  }
0x34: {  	_ =	swait.ge [sflag:s4], $0x1000  }
0x35: {  	s16 =	sadd.s32 $0xFFFFFFFF, s31;
	[sflag:s4] =	ssyncset.done $0x0  }
.LBB2_1:
0x36: {  	p0 =	sne.s32 s16, $0x1;
	s16 =	sadd.s32 $0xFFFFFFFF, s16;
	[sflag:s4] =	ssyncadd.s32 $0xFFFFF000  }
0x37: {  	[tilespmem:s3], [sflag:$0x2] =	stream.linear.gather [hbm4b:s5+s3], $0x80, $0x38;
	[tilespmem:$0x1080] =	vst v63  }
0x38: {  	_ =	swait.ge [sflag:s4], $0x80  }
0x39: {  	[sflag:s4] =	ssyncset.done $0x0  }
0x3a: {  	[sflag:s4] =	ssyncadd.s32 $0xFFFFFF80  }
0x3b: {  	[tilespmem:s6], [sflag:$0x1] =	stream.indirect.gather [hbm4b:s2+s6], $0x20, s3, s6, $0xb8;
	[tilespmem:$0x1080] =	vst v63  }
0x3c: {  	_ =	swait.ge [sflag:s7], $0x1000  }
0x3d: {  	[sflag:s7] =	ssyncset.done $0x0  }
0x3e: {  	[sflag:s7] =	ssyncadd.s32 $0xFFFFF000  }
0x3f: {  	[hbm4b:s8+s3] =	stream.linear.scatter [tilespmem:s6], [sflag:$0x2], $0x1000, $0x38;
	[tilespmem:$0x1080] =	vst v63  }
0x40: {  	_ =	swait.ge [sflag:s4], $0x1000  }
0x41: {  	[sflag:s4] =	ssyncset.done $0x0  }
0x42: {  	[sflag:s4] =	ssyncadd.s32 $0xFFFFF000  }
0x43: {  	[tilespmem:s3], [sflag:$0x2] =	stream.linear.gather [hbm4b:s9+s3], $0x80, $0x38;
	[tilespmem:$0x1080] =	vst v63  }
0x44: {  	_ =	swait.ge [sflag:s4], $0x80  }
0x45: {  	[sflag:s4] =	ssyncset.done $0x0  }
0x46: {  	[sflag:s4] =	ssyncadd.s32 $0xFFFFFF80  }
0x47: {  	[tilespmem:s6], [sflag:$0x1] =	stream.indirect.gather [hbm4b:s2+s6], $0x20, s3, s6, $0xb8;
	[tilespmem:$0x1080] =	vst v63  }
0x48: {  	_ =	swait.ge [sflag:s7], $0x1000  }
0x49: {  	[sflag:s7] =	ssyncset.done $0x0  }
0x4a: {  	[sflag:s7] =	ssyncadd.s32 $0xFFFFF000  }
0x4b: {  	[hbm4b:s10+s3] =	stream.linear.scatter [tilespmem:s6], [sflag:$0x2], $0x1000, $0x38;
	[tilespmem:$0x1080] =	vst v63  }
0x4c: {  	_ =	swait.ge [sflag:s4], $0x1000  }
0x4d: {  	[sflag:s4] =	ssyncset.done $0x0  }
0x4e: {  	[sflag:s4] =	ssyncadd.s32 $0xFFFFF000  }
0x4f: {  	[tilespmem:s3], [sflag:$0x2] =	stream.linear.gather [hbm4b:s11+s3], $0x80, $0x38;
	[tilespmem:$0x1080] =	vst v63  }
0x50: {  	_ =	swait.ge [sflag:s4], $0x80  }
0x51: {  	[sflag:s4] =	ssyncset.done $0x0  }
0x52: {  	[sflag:s4] =	ssyncadd.s32 $0xFFFFFF80  }
0x53: {  	[tilespmem:s6], [sflag:$0x1] =	stream.indirect.gather [hbm4b:s12+s6], $0x20, s3, s6, $0xb8;
	[tilespmem:$0x1080] =	vst v63  }
0x54: {  	_ =	swait.ge [sflag:s7], $0x1000  }
0x55: {  	[sflag:s7] =	ssyncset.done $0x0  }
0x56: {  	[sflag:s7] =	ssyncadd.s32 $0xFFFFF000  }
0x57: {  	[hbm4b:s13+s3] =	stream.linear.scatter [tilespmem:s6], [sflag:$0x2], $0x1000, $0x38;
	[tilespmem:$0x1080] =	vst v63  }
0x58: {  	_ =	swait.ge [sflag:s4], $0x1000  }
0x59: {  	[sflag:s4] =	ssyncset.done $0x0  }
0x5a: {  	[sflag:s4] =	ssyncadd.s32 $0xFFFFF000  }
0x5b: {  	[tilespmem:s3], [sflag:$0x2] =	stream.linear.gather [hbm4b:s14+s3], $0x80, $0x38;
	[tilespmem:$0x1080] =	vst v63  }
0x5c: {  	_ =	swait.ge [sflag:s4], $0x80  }
0x5d: {  	[sflag:s4] =	ssyncset.done $0x0  }
0x5e: {  	[sflag:s4] =	ssyncadd.s32 $0xFFFFFF80  }
0x5f: {  	[tilespmem:s6], [sflag:$0x1] =	stream.indirect.gather [hbm4b:s12+s6], $0x20, s3, s6, $0xb8;
	[tilespmem:$0x1080] =	vst v63  }
0x60: {  	_ =	swait.ge [sflag:s7], $0x1000  }
.Ltmp1:
0x61: {  	[sflag:s7] =	ssyncset.done $0x0;
	(pc) =	sbr.rel @p0 .LBB2_1-.Ltmp1, $4  }
0x62: {  	[sflag:s7] =	ssyncadd.s32 $0xFFFFF000  }
0x63: {  	[hbm4b:s15+s3] =	stream.linear.scatter [tilespmem:s6], [sflag:$0x2], $0x1000, $0x38;
	[tilespmem:$0x1080] =	vst v63  }
0x64: {  	_ =	swait.ge [sflag:s4], $0x1000  }
0x65: {  	[sflag:s4] =	ssyncset.done $0x0  }
.LBB2_2:
0x66: {  	[sflag:s4] =	ssyncadd.s32 $0xFFFFF000  }
0x67: {  	_ =	sfence.sel $0x180000  }
0x68: {  	[bflag:$0x0] =	sbarrier.arrive $0xFFFF  }
0x69: {  	p0 =	sne.s32 s0, $0x0;
	_ =	strace $0x90000047  }
0x6a: {  	s0 =	sadd.s32 @!p0 $0x100000, s1;
	[bflag:$0x2] =	sbarrier.arrive $0xFFFF  }
0x6b: {  	[sflag:s0] =	ssyncadd.tile.s32 @!p0 $0x1;
	_ =	shalt  }
.Lfunc_end2:
_tile_overlayer_lowered:
.L_overlay_start_2:
0x6c: {  	(tag) =	ssettag $0x2  }
0x6d: {  	s0 =	rddreg [dreg:$0x0];
	s2 =	stileid.u32  }
0x6e: {  	s1 =	rddreg [dreg:$0x1];
	p0 =	sne.s32 s2, $0x0  }
0x6f: {  	s3 =	rddreg [dreg:$0x2];
	[bflag:$0x3] =	sbarrier.arrive $0xFFFF;
	s2 =	simm.s32 @!p0 $0x1C02  }
0x70: {  	[timem:s3], [sflag:s2] =	dma.local @!p0 [hbm:s0], s1  }
0x71: {  	s0 =	simm.s32 @!p0 $0x2  }
0x72: {  	_ =	swait.ge @!p0 [sflag:s0], s1  }
0x73: {  	s1 =	ssub.s32 @!p0 $0x0, s1;
	[sflag:s0] =	ssyncset.done @!p0 $0x0  }
0x74: {  	[sflag:s0] =	ssyncadd.s32 @!p0 s1  }
0x75: {  	[bflag:$0x3] =	sbarrier.arrive $0xFFFF  }
0x76: {  	_ =	shalt  }

</sc_bundles>
